<compile_context>
chip_gen: v7x
topology: tpu7x:2x2x1
jax: 0.10.2.dev20260603
libtpu: 0.0.44.dev20260713+nightly
codegen_flags: <defaults>
</compile_context>

<pallas_src>
import jax
import jax.numpy as jnp
from jax import lax
from jax.experimental import pallas as pl
from jax.experimental.pallas import tpu as pltpu
from jax.experimental.pallas import tpu_sc as plsc

N = 10000
NP = 10240
E = 320000
D = 128
DE = 144

NC = 2
NS = 16
NW = NC * NS
EPT = E // NW
K = 40
CHUNKS = EPT // K
NB = 3
ROWS_PER_SUB = NP // NS


def _mm_body(x_ref, w_ref, o_ref):
    mm = jnp.dot(x_ref[...], w_ref[...], preferred_element_type=jnp.float32)
    bm = mm.shape[0]
    onehot = jnp.where(
        lax.broadcasted_iota(jnp.int32, (bm, DE - D), 1) == 0, 1.0, 0.0
    ).astype(jnp.float32)
    o_ref[...] = jnp.concatenate([mm, onehot], axis=1)


def _combine_body(p_ref, b_ref, o_ref):
    p = p_ref[...]
    s = p[0] + p[1]
    deg = s[:, D:D + 1]
    scale = 1.0 / jnp.maximum(deg, 1.0)
    o_ref[...] = s[:, :D] * scale + b_ref[...]


def _sc_body(sup_hbm, row_hbm, col_hbm, zeros_hbm, out_hbm,
             acc_sh, colv, rowv, rows_v, gsem, ssem):
    c = lax.axis_index("c")
    s = lax.axis_index("s")
    wid = s * NC + c

    pltpu.async_copy(col_hbm.at[wid], colv, gsem.at[0])
    pltpu.async_copy(row_hbm.at[wid], rowv, gsem.at[1])
    sl = pl.ds(pl.multiple_of(s * ROWS_PER_SUB, 8), ROWS_PER_SUB)
    pltpu.sync_copy(zeros_hbm, acc_sh.at[sl])
    pltpu.make_async_copy(col_hbm.at[wid], colv, gsem.at[0]).wait()
    pltpu.make_async_copy(row_hbm.at[wid], rowv, gsem.at[1]).wait()
    plsc.subcore_barrier()

    def gather(i, buf):
        pltpu.async_copy(sup_hbm.at[colv.at[i]], rows_v.at[buf], gsem.at[buf])

    def gather_wait(i, buf):
        pltpu.make_async_copy(
            sup_hbm.at[colv.at[i]], rows_v.at[buf], gsem.at[buf]
        ).wait()

    def scatter(i, buf):
        pltpu.async_copy(
            rows_v.at[buf], acc_sh.at[rowv.at[i]], ssem.at[buf], add=True
        )

    def scatter_wait(i, buf):
        pltpu.make_async_copy(
            rows_v.at[buf], acc_sh.at[rowv.at[i]], ssem.at[buf]
        ).wait()

    for j in range(NB - 1):
        gather(j, j)

    def body(i, carry):
        buf = lax.rem(i, NB)
        nxt = i + NB - 1

        @pl.when(nxt < CHUNKS)
        def _():
            nbuf = lax.rem(nxt, NB)

            @pl.when(nxt >= NB)
            def _():
                scatter_wait(nxt - NB, nbuf)

            gather(nxt, nbuf)

        gather_wait(i, buf)
        scatter(i, buf)
        return carry

    lax.fori_loop(0, CHUNKS, body, 0)
    for j in range(NB):
        scatter_wait(CHUNKS - NB + j, lax.rem(CHUNKS - NB + j, NB))
    plsc.subcore_barrier()

    pltpu.sync_copy(acc_sh.at[sl], out_hbm.at[c].at[sl])


_sc_scatter = pl.kernel(
    _sc_body,
    out_type=jax.ShapeDtypeStruct((NC, NP, DE), jnp.float32),
    mesh=plsc.VectorSubcoreMesh(core_axis_name="c", subcore_axis_name="s"),
    scratch_types=[
        pltpu.VMEM_SHARED((NP, DE), jnp.float32),
        pltpu.VMEM((CHUNKS, K), jnp.int32),
        pltpu.VMEM((CHUNKS, K), jnp.int32),
        pltpu.VMEM((NB, K, DE), jnp.float32),
        pltpu.SemaphoreType.DMA((NB,)),
        pltpu.SemaphoreType.DMA((NB,)),
    ],
    compiler_params=pltpu.CompilerParams(use_tc_tiling_on_sc=False),
)


def kernel(x, edge_index, W, b):
    row = edge_index[0].reshape(NW, CHUNKS, K)
    col = edge_index[1].reshape(NW, CHUNKS, K)

    bm = 2000
    support_ext = pl.pallas_call(
        _mm_body,
        grid=(N // bm,),
        in_specs=[
            pl.BlockSpec((bm, D), lambda i: (i, 0)),
            pl.BlockSpec((D, D), lambda i: (0, 0)),
        ],
        out_specs=pl.BlockSpec((bm, DE), lambda i: (i, 0)),
        out_shape=jax.ShapeDtypeStruct((N, DE), jnp.float32),
    )(x, W)

    zeros = jnp.zeros((ROWS_PER_SUB, DE), jnp.float32)
    partials = _sc_scatter(support_ext, row, col, zeros)

    b2 = b.reshape(1, D)
    out = pl.pallas_call(
        _combine_body,
        grid=(N // bm,),
        in_specs=[
            pl.BlockSpec((NC, bm, DE), lambda i: (0, i, 0)),
            pl.BlockSpec((1, D), lambda i: (0, 0)),
        ],
        out_specs=pl.BlockSpec((bm, D), lambda i: (i, 0)),
        out_shape=jax.ShapeDtypeStruct((N, D), jnp.float32),
    )(partials, b2)
    return out

# --- scband reference (transcript-rebuilt; emitter-appended) ---
"""Pipeline reference for scband-spatial-gcnlayer-72361609003253 (READ-ONLY COPY).

The authoritative reference and input builder live on the scoring server;
editing this copy changes nothing except your own understanding.
"""

import jax, jax.numpy as jnp
import numpy as np

N_NODES = 10000
N_EDGES = 320000
D_IN = 128
D_OUT = 128


def setup_inputs(seed: int = 0) -> dict:
    key = jax.random.key(seed)
    k1, k2, k3, k4 = jax.random.split(key, 4)
    x = jax.random.normal(k1, (N_NODES, D_IN), dtype=jnp.float32)
    edge_index = jax.random.randint(k2, (2, N_EDGES), 0, N_NODES, dtype=jnp.int32)
    stdv = 1.0 / np.sqrt(D_OUT)
    W = jax.random.uniform(k3, (D_IN, D_OUT), minval=-stdv, maxval=stdv, dtype=jnp.float32)
    b = jax.random.uniform(k4, (D_OUT,), minval=-stdv, maxval=stdv, dtype=jnp.float32)
    return {"x": x, "edge_index": edge_index, "W": W, "b": b}


def reference(x, edge_index, W, b):
    # support = x @ weight
    support = jnp.matmul(x, W)
    # adj = D^-1 A represented as edge list (row = dst, col = src);
    # torch.spmm(adj, support) == segment-sum of gathered rows scaled by 1/deg(row)
    row = edge_index[0]
    col = edge_index[1]
    ones = jnp.ones((edge_index.shape[1],), dtype=support.dtype)
    deg = jax.ops.segment_sum(ones, row, num_segments=N_NODES)
    deg = jnp.maximum(deg, 1.0)
    msgs = jnp.take(support, col, axis=0) / deg[row][:, None]
    output = jax.ops.segment_sum(msgs, row, num_segments=N_NODES)
    # bias add
    output = output + b
    return output

if __name__ == "__main__":
    import jax
    _d = setup_inputs()
    print(jax.jit(kernel)(*tuple(_d.values())))

</pallas_src>

<mosaic_0001>
#map = affine_map<(d0, d1) -> (0, 0)>
#map1 = affine_map<(d0, d1) -> (0, 0, 0)>
module attributes {stable_mosaic.version = 14 : i64} {
  func.func @_sc_body(%arg0: i32, %arg1: i32, %arg2: memref<10000x144xf32, #tpu.memory_space<hbm>>, %arg3: memref<32x250x40xi32, #tpu.memory_space<hbm>>, %arg4: memref<32x250x40xi32, #tpu.memory_space<hbm>>, %arg5: memref<640x144xf32, #tpu.memory_space<hbm>>, %arg6: memref<2x10240x144xf32, #tpu.memory_space<hbm>>, %arg7: memref<10240x144xf32, #tpu.memory_space<vmem_shared>>, %arg8: memref<250x40xi32, #tpu.memory_space<vmem>>, %arg9: memref<250x40xi32, #tpu.memory_space<vmem>>, %arg10: memref<3x40x144xf32, #tpu.memory_space<vmem>>, %arg11: memref<3x!tpu.dma_semaphore, #tpu.memory_space<semaphore_mem>>, %arg12: memref<3x!tpu.dma_semaphore, #tpu.memory_space<semaphore_mem>>) attributes {dimension_semantics = [#tpu.dimension_semantics<core_parallel>, #tpu.dimension_semantics<subcore_parallel>], iteration_bounds = array<i64: 2, 16>, scalar_prefetch = 0 : i64, scratch_operands = 6 : i64, tpu.core_type = #tpu.core_type<sc_vector_subcore>, window_params = [{transform_indices = #map}, {transform_indices = #map1}, {transform_indices = #map1}, {transform_indices = #map}, {transform_indices = #map1}]} {
    %mul3A = arith.constant 2 : i32
    %mul3A_0 = arith.muli %arg1, %mul3A : i32
    %add3A = arith.addi %mul3A_0, %arg0 : i32
    %dma_start3A = arith.constant 0 : i32
    %dma_start3A_1 = arith.constant 0 : i32
    %dma_start3A_2 = arith.constant 0 : i32
    %dma_start3A_3 = tpu.memref_slice %arg4[%add3A, %dma_start3A_1, %dma_start3A_2] : memref<32x250x40xi32, #tpu.memory_space<hbm>> -> memref<1x250x40xi32, #tpu.memory_space<hbm>>
    %dma_start3A_4 = tpu.memref_squeeze %dma_start3A_3 : memref<1x250x40xi32, #tpu.memory_space<hbm>> -> memref<250x40xi32, #tpu.memory_space<hbm>>
    %dma_start3A_5 = tpu.memref_slice %arg11[%dma_start3A] : memref<3x!tpu.dma_semaphore, #tpu.memory_space<semaphore_mem>> -> memref<1x!tpu.dma_semaphore, #tpu.memory_space<semaphore_mem>>
    %dma_start3A_6 = tpu.memref_squeeze %dma_start3A_5 : memref<1x!tpu.dma_semaphore, #tpu.memory_space<semaphore_mem>> -> memref<!tpu.dma_semaphore, #tpu.memory_space<semaphore_mem>>
    %dma_start3A_7 = arith.constant 0 : i32
    %dma_start3A_8 = arith.constant 0 : i32
    %dma_start3A_9 = tpu.memref_slice %arg4[%add3A, %dma_start3A_7, %dma_start3A_8] : memref<32x250x40xi32, #tpu.memory_space<hbm>> -> memref<1x250x40xi32, #tpu.memory_space<hbm>>
    %dma_start3A_10 = tpu.memref_squeeze %dma_start3A_9 : memref<1x250x40xi32, #tpu.memory_space<hbm>> -> memref<250x40xi32, #tpu.memory_space<hbm>>
    tpu.enqueue_dma source(%dma_start3A_10 : memref<250x40xi32, #tpu.memory_space<hbm>>) target(%arg8 : memref<250x40xi32, #tpu.memory_space<vmem>>) target_semaphore(%dma_start3A_6 : memref<!tpu.dma_semaphore, #tpu.memory_space<semaphore_mem>>)
    %dma_start3A_11 = arith.constant 1 : i32
    %dma_start3A_12 = arith.constant 0 : i32
    %dma_start3A_13 = arith.constant 0 : i32
    %dma_start3A_14 = tpu.memref_slice %arg3[%add3A, %dma_start3A_12, %dma_start3A_13] : memref<32x250x40xi32, #tpu.memory_space<hbm>> -> memref<1x250x40xi32, #tpu.memory_space<hbm>>
    %dma_start3A_15 = tpu.memref_squeeze %dma_start3A_14 : memref<1x250x40xi32, #tpu.memory_space<hbm>> -> memref<250x40xi32, #tpu.memory_space<hbm>>
    %dma_start3A_16 = tpu.memref_slice %arg11[%dma_start3A_11] : memref<3x!tpu.dma_semaphore, #tpu.memory_space<semaphore_mem>> -> memref<1x!tpu.dma_semaphore, #tpu.memory_space<semaphore_mem>>
    %dma_start3A_17 = tpu.memref_squeeze %dma_start3A_16 : memref<1x!tpu.dma_semaphore, #tpu.memory_space<semaphore_mem>> -> memref<!tpu.dma_semaphore, #tpu.memory_space<semaphore_mem>>
    %dma_start3A_18 = arith.constant 0 : i32
    %dma_start3A_19 = arith.constant 0 : i32
    %dma_start3A_20 = tpu.memref_slice %arg3[%add3A, %dma_start3A_18, %dma_start3A_19] : memref<32x250x40xi32, #tpu.memory_space<hbm>> -> memref<1x250x40xi32, #tpu.memory_space<hbm>>
    %dma_start3A_21 = tpu.memref_squeeze %dma_start3A_20 : memref<1x250x40xi32, #tpu.memory_space<hbm>> -> memref<250x40xi32, #tpu.memory_space<hbm>>
    tpu.enqueue_dma source(%dma_start3A_21 : memref<250x40xi32, #tpu.memory_space<hbm>>) target(%arg9 : memref<250x40xi32, #tpu.memory_space<vmem>>) target_semaphore(%dma_start3A_17 : memref<!tpu.dma_semaphore, #tpu.memory_space<semaphore_mem>>)
    %mul3A_22 = arith.constant 640 : i32
    %mul3A_23 = arith.muli %arg1, %mul3A_22 : i32
    %multiple_of3A = tpu.assume_multiple %mul3A_23, 8 : i32
    "tpu.region"() ({
      %run_scoped3A = tpu.sem_alloc : memref<!tpu.dma_semaphore, #tpu.memory_space<semaphore_mem>>
      %dma_start3A_128 = arith.constant 0 : i32
      %dma_start3A_129 = tpu.memref_slice %arg7[%multiple_of3A, %dma_start3A_128] : memref<10240x144xf32, #tpu.memory_space<vmem_shared>> -> memref<640x144xf32, #tpu.memory_space<vmem_shared>>
      tpu.enqueue_dma source(%arg5 : memref<640x144xf32, #tpu.memory_space<hbm>>) target(%dma_start3A_129 : memref<640x144xf32, #tpu.memory_space<vmem_shared>>) target_semaphore(%run_scoped3A : memref<!tpu.dma_semaphore, #tpu.memory_space<semaphore_mem>>)
      %dma_wait3A_130 = arith.constant 0 : i32
      %dma_wait3A_131 = tpu.memref_slice %arg7[%multiple_of3A, %dma_wait3A_130] : memref<10240x144xf32, #tpu.memory_space<vmem_shared>> -> memref<640x144xf32, #tpu.memory_space<vmem_shared>>
      tpu.wait_dma2 semaphore(%run_scoped3A : memref<!tpu.dma_semaphore, #tpu.memory_space<semaphore_mem>>) src(%arg5 : memref<640x144xf32, #tpu.memory_space<hbm>>) dst(%dma_wait3A_131 : memref<640x144xf32, #tpu.memory_space<vmem_shared>>)
      tpu.yield
    }) : () -> ()
    %dma_wait3A = arith.constant 0 : i32
    %dma_wait3A_24 = arith.constant 0 : i32
    %dma_wait3A_25 = arith.constant 0 : i32
    %dma_wait3A_26 = tpu.memref_slice %arg4[%add3A, %dma_wait3A_24, %dma_wait3A_25] : memref<32x250x40xi32, #tpu.memory_space<hbm>> -> memref<1x250x40xi32, #tpu.memory_space<hbm>>
    %dma_wait3A_27 = tpu.memref_squeeze %dma_wait3A_26 : memref<1x250x40xi32, #tpu.memory_space<hbm>> -> memref<250x40xi32, #tpu.memory_space<hbm>>
    %dma_wait3A_28 = tpu.memref_slice %arg11[%dma_wait3A] : memref<3x!tpu.dma_semaphore, #tpu.memory_space<semaphore_mem>> -> memref<1x!tpu.dma_semaphore, #tpu.memory_space<semaphore_mem>>
    %dma_wait3A_29 = tpu.memref_squeeze %dma_wait3A_28 : memref<1x!tpu.dma_semaphore, #tpu.memory_space<semaphore_mem>> -> memref<!tpu.dma_semaphore, #tpu.memory_space<semaphore_mem>>
    %dma_wait3A_30 = arith.constant 0 : i32
    %dma_wait3A_31 = arith.constant 0 : i32
    %dma_wait3A_32 = tpu.memref_slice %arg4[%add3A, %dma_wait3A_30, %dma_wait3A_31] : memref<32x250x40xi32, #tpu.memory_space<hbm>> -> memref<1x250x40xi32, #tpu.memory_space<hbm>>
    %dma_wait3A_33 = tpu.memref_squeeze %dma_wait3A_32 : memref<1x250x40xi32, #tpu.memory_space<hbm>> -> memref<250x40xi32, #tpu.memory_space<hbm>>
    tpu.wait_dma2 semaphore(%dma_wait3A_29 : memref<!tpu.dma_semaphore, #tpu.memory_space<semaphore_mem>>) src(%dma_wait3A_33 : memref<250x40xi32, #tpu.memory_space<hbm>>) dst(%arg8 : memref<250x40xi32, #tpu.memory_space<vmem>>)
    %dma_wait3A_34 = arith.constant 1 : i32
    %dma_wait3A_35 = arith.constant 0 : i32
    %dma_wait3A_36 = arith.constant 0 : i32
    %dma_wait3A_37 = tpu.memref_slice %arg3[%add3A, %dma_wait3A_35, %dma_wait3A_36] : memref<32x250x40xi32, #tpu.memory_space<hbm>> -> memref<1x250x40xi32, #tpu.memory_space<hbm>>
    %dma_wait3A_38 = tpu.memref_squeeze %dma_wait3A_37 : memref<1x250x40xi32, #tpu.memory_space<hbm>> -> memref<250x40xi32, #tpu.memory_space<hbm>>
    %dma_wait3A_39 = tpu.memref_slice %arg11[%dma_wait3A_34] : memref<3x!tpu.dma_semaphore, #tpu.memory_space<semaphore_mem>> -> memref<1x!tpu.dma_semaphore, #tpu.memory_space<semaphore_mem>>
    %dma_wait3A_40 = tpu.memref_squeeze %dma_wait3A_39 : memref<1x!tpu.dma_semaphore, #tpu.memory_space<semaphore_mem>> -> memref<!tpu.dma_semaphore, #tpu.memory_space<semaphore_mem>>
    %dma_wait3A_41 = arith.constant 0 : i32
    %dma_wait3A_42 = arith.constant 0 : i32
    %dma_wait3A_43 = tpu.memref_slice %arg3[%add3A, %dma_wait3A_41, %dma_wait3A_42] : memref<32x250x40xi32, #tpu.memory_space<hbm>> -> memref<1x250x40xi32, #tpu.memory_space<hbm>>
    %dma_wait3A_44 = tpu.memref_squeeze %dma_wait3A_43 : memref<1x250x40xi32, #tpu.memory_space<hbm>> -> memref<250x40xi32, #tpu.memory_space<hbm>>
    tpu.wait_dma2 semaphore(%dma_wait3A_40 : memref<!tpu.dma_semaphore, #tpu.memory_space<semaphore_mem>>) src(%dma_wait3A_44 : memref<250x40xi32, #tpu.memory_space<hbm>>) dst(%arg9 : memref<250x40xi32, #tpu.memory_space<vmem>>)
    %barrier3A = arith.constant 0 : index
    tpu.barrier barrier_id(%barrier3A)
    %dma_start3A_45 = arith.constant 0 : i32
    %dma_start3A_46 = arith.constant 0 : i32
    %dma_start3A_47 = arith.constant 0 : i32
    %dma_start3A_48 = arith.constant 0 : i32
    %dma_start3A_49 = arith.constant 0 : i32
    %dma_start3A_50 = tpu.memref_slice %arg10[%dma_start3A_46, %dma_start3A_48, %dma_start3A_49] : memref<3x40x144xf32, #tpu.memory_space<vmem>> -> memref<1x40x144xf32, #tpu.memory_space<vmem>>
    %dma_start3A_51 = tpu.memref_squeeze %dma_start3A_50 : memref<1x40x144xf32, #tpu.memory_space<vmem>> -> memref<40x144xf32, #tpu.memory_space<vmem>>
    %dma_start3A_52 = arith.constant 0 : i32
    %dma_start3A_53 = tpu.memref_slice %arg8[%dma_start3A_45, %dma_start3A_52] : memref<250x40xi32, #tpu.memory_space<vmem>> -> memref<1x40xi32, #tpu.memory_space<vmem>>
    %dma_start3A_54 = tpu.memref_squeeze %dma_start3A_53 : memref<1x40xi32, #tpu.memory_space<vmem>> -> memref<40xi32, #tpu.memory_space<vmem>>
    %dma_start3A_55 = arith.constant 0 : i32
    %dma_start3A_56 = arith.constant 0 : i32
    %dma_start3A_57 = tpu.memref_slice %arg2[%dma_start3A_55, %dma_start3A_56] : memref<10000x144xf32, #tpu.memory_space<hbm>> -> memref<10000x144xf32, #tpu.memory_space<hbm>>
    %dma_start3A_58 = tpu.memref_slice %arg11[%dma_start3A_47] : memref<3x!tpu.dma_semaphore, #tpu.memory_space<semaphore_mem>> -> memref<1x!tpu.dma_semaphore, #tpu.memory_space<semaphore_mem>>
    %dma_start3A_59 = tpu.memref_squeeze %dma_start3A_58 : memref<1x!tpu.dma_semaphore, #tpu.memory_space<semaphore_mem>> -> memref<!tpu.dma_semaphore, #tpu.memory_space<semaphore_mem>>
    tpu.enqueue_indirect_dma source(%dma_start3A_57 : memref<10000x144xf32, #tpu.memory_space<hbm>>) target(%dma_start3A_51 : memref<40x144xf32, #tpu.memory_space<vmem>>) offsets(%dma_start3A_54 : memref<40xi32, #tpu.memory_space<vmem>>) semaphore(%dma_start3A_59 : memref<!tpu.dma_semaphore, #tpu.memory_space<semaphore_mem>>)
    %dma_start3A_60 = arith.constant 1 : i32
    %dma_start3A_61 = arith.constant 1 : i32
    %dma_start3A_62 = arith.constant 1 : i32
    %dma_start3A_63 = arith.constant 0 : i32
    %dma_start3A_64 = arith.constant 0 : i32
    %dma_start3A_65 = tpu.memref_slice %arg10[%dma_start3A_61, %dma_start3A_63, %dma_start3A_64] : memref<3x40x144xf32, #tpu.memory_space<vmem>> -> memref<1x40x144xf32, #tpu.memory_space<vmem>>
    %dma_start3A_66 = tpu.memref_squeeze %dma_start3A_65 : memref<1x40x144xf32, #tpu.memory_space<vmem>> -> memref<40x144xf32, #tpu.memory_space<vmem>>
    %dma_start3A_67 = arith.constant 0 : i32
    %dma_start3A_68 = tpu.memref_slice %arg8[%dma_start3A_60, %dma_start3A_67] : memref<250x40xi32, #tpu.memory_space<vmem>> -> memref<1x40xi32, #tpu.memory_space<vmem>>
    %dma_start3A_69 = tpu.memref_squeeze %dma_start3A_68 : memref<1x40xi32, #tpu.memory_space<vmem>> -> memref<40xi32, #tpu.memory_space<vmem>>
    %dma_start3A_70 = arith.constant 0 : i32
    %dma_start3A_71 = arith.constant 0 : i32
    %dma_start3A_72 = tpu.memref_slice %arg2[%dma_start3A_70, %dma_start3A_71] : memref<10000x144xf32, #tpu.memory_space<hbm>> -> memref<10000x144xf32, #tpu.memory_space<hbm>>
    %dma_start3A_73 = tpu.memref_slice %arg11[%dma_start3A_62] : memref<3x!tpu.dma_semaphore, #tpu.memory_space<semaphore_mem>> -> memref<1x!tpu.dma_semaphore, #tpu.memory_space<semaphore_mem>>
    %dma_start3A_74 = tpu.memref_squeeze %dma_start3A_73 : memref<1x!tpu.dma_semaphore, #tpu.memory_space<semaphore_mem>> -> memref<!tpu.dma_semaphore, #tpu.memory_space<semaphore_mem>>
    tpu.enqueue_indirect_dma source(%dma_start3A_72 : memref<10000x144xf32, #tpu.memory_space<hbm>>) target(%dma_start3A_66 : memref<40x144xf32, #tpu.memory_space<vmem>>) offsets(%dma_start3A_69 : memref<40xi32, #tpu.memory_space<vmem>>) semaphore(%dma_start3A_74 : memref<!tpu.dma_semaphore, #tpu.memory_space<semaphore_mem>>)
    %scan3A = arith.constant 0 : i32
    %scan3A_75 = arith.constant 0 : i32
    %scan3A_76 = arith.constant 250 : i32
    %scan3A_77 = arith.addi %scan3A_75, %scan3A_76 : i32
    %scan3A_78 = arith.constant 1 : i32
    scf.for %scan3A_128 = %scan3A_75 to %scan3A_77 step %scan3A_78  : i32 {
      %rem3A_129 = arith.constant 3 : i32
      %rem3A_130 = arith.remsi %scan3A_128, %rem3A_129 : i32
      %add3A_131 = arith.constant 3 : i32
      %add3A_132 = arith.addi %scan3A_128, %add3A_131 : i32
      %sub3A = arith.constant 1 : i32
      %sub3A_133 = arith.subi %add3A_132, %sub3A : i32
      %lt3A = arith.constant 250 : i32
      %lt3A_134 = arith.cmpi slt, %sub3A_133, %lt3A : i32
      %convert_element_type3A = arith.extui %lt3A_134 : i1 to i32
      %cond3A = arith.constant 0 : i32
      %cond3A_135 = arith.cmpi ne, %convert_element_type3A, %cond3A : i32
      scf.if %cond3A_135 {
        %rem3A_160 = arith.constant 3 : i32
        %rem3A_161 = arith.remsi %sub3A_133, %rem3A_160 : i32
        %ge3A = arith.constant 3 : i32
        %ge3A_162 = arith.cmpi sge, %sub3A_133, %ge3A : i32
        %convert_element_type3A_163 = arith.extui %ge3A_162 : i1 to i32
        %cond3A_164 = arith.constant 0 : i32
        %cond3A_165 = arith.cmpi ne, %convert_element_type3A_163, %cond3A_164 : i32
        scf.if %cond3A_165 {
          %sub3A_178 = arith.constant 3 : i32
          %sub3A_179 = arith.subi %sub3A_133, %sub3A_178 : i32
          %dma_wait3A_180 = arith.constant 0 : i32
          %dma_wait3A_181 = arith.constant 0 : i32
          %dma_wait3A_182 = tpu.memref_slice %arg10[%rem3A_161, %dma_wait3A_180, %dma_wait3A_181] : memref<3x40x144xf32, #tpu.memory_space<vmem>> -> memref<1x40x144xf32, #tpu.memory_space<vmem>>
          %dma_wait3A_183 = tpu.memref_squeeze %dma_wait3A_182 : memref<1x40x144xf32, #tpu.memory_space<vmem>> -> memref<40x144xf32, #tpu.memory_space<vmem>>
          %dma_wait3A_184 = arith.constant 0 : i32
          %dma_wait3A_185 = tpu.memref_slice %arg9[%sub3A_179, %dma_wait3A_184] : memref<250x40xi32, #tpu.memory_space<vmem>> -> memref<1x40xi32, #tpu.memory_space<vmem>>
          %dma_wait3A_186 = tpu.memref_squeeze %dma_wait3A_185 : memref<1x40xi32, #tpu.memory_space<vmem>> -> memref<40xi32, #tpu.memory_space<vmem>>
          %dma_wait3A_187 = arith.constant 0 : i32
          %dma_wait3A_188 = arith.constant 0 : i32
          %dma_wait3A_189 = tpu.memref_slice %arg7[%dma_wait3A_187, %dma_wait3A_188] : memref<10240x144xf32, #tpu.memory_space<vmem_shared>> -> memref<10240x144xf32, #tpu.memory_space<vmem_shared>>
          %dma_wait3A_190 = tpu.memref_slice %arg12[%rem3A_161] : memref<3x!tpu.dma_semaphore, #tpu.memory_space<semaphore_mem>> -> memref<1x!tpu.dma_semaphore, #tpu.memory_space<semaphore_mem>>
          %dma_wait3A_191 = tpu.memref_squeeze %dma_wait3A_190 : memref<1x!tpu.dma_semaphore, #tpu.memory_space<semaphore_mem>> -> memref<!tpu.dma_semaphore, #tpu.memory_space<semaphore_mem>>
          tpu.wait_indirect_dma semaphore(%dma_wait3A_191 : memref<!tpu.dma_semaphore, #tpu.memory_space<semaphore_mem>>) src(%dma_wait3A_183 : memref<40x144xf32, #tpu.memory_space<vmem>>) dst(%dma_wait3A_189 : memref<10240x144xf32, #tpu.memory_space<vmem_shared>>)
        } else {
        }
        %dma_start3A_166 = arith.constant 0 : i32
        %dma_start3A_167 = arith.constant 0 : i32
        %dma_start3A_168 = tpu.memref_slice %arg10[%rem3A_161, %dma_start3A_166, %dma_start3A_167] : memref<3x40x144xf32, #tpu.memory_space<vmem>> -> memref<1x40x144xf32, #tpu.memory_space<vmem>>
        %dma_start3A_169 = tpu.memref_squeeze %dma_start3A_168 : memref<1x40x144xf32, #tpu.memory_space<vmem>> -> memref<40x144xf32, #tpu.memory_space<vmem>>
        %dma_start3A_170 = arith.constant 0 : i32
        %dma_start3A_171 = tpu.memref_slice %arg8[%sub3A_133, %dma_start3A_170] : memref<250x40xi32, #tpu.memory_space<vmem>> -> memref<1x40xi32, #tpu.memory_space<vmem>>
        %dma_start3A_172 = tpu.memref_squeeze %dma_start3A_171 : memref<1x40xi32, #tpu.memory_space<vmem>> -> memref<40xi32, #tpu.memory_space<vmem>>
        %dma_start3A_173 = arith.constant 0 : i32
        %dma_start3A_174 = arith.constant 0 : i32
        %dma_start3A_175 = tpu.memref_slice %arg2[%dma_start3A_173, %dma_start3A_174] : memref<10000x144xf32, #tpu.memory_space<hbm>> -> memref<10000x144xf32, #tpu.memory_space<hbm>>
        %dma_start3A_176 = tpu.memref_slice %arg11[%rem3A_161] : memref<3x!tpu.dma_semaphore, #tpu.memory_space<semaphore_mem>> -> memref<1x!tpu.dma_semaphore, #tpu.memory_space<semaphore_mem>>
        %dma_start3A_177 = tpu.memref_squeeze %dma_start3A_176 : memref<1x!tpu.dma_semaphore, #tpu.memory_space<semaphore_mem>> -> memref<!tpu.dma_semaphore, #tpu.memory_space<semaphore_mem>>
        tpu.enqueue_indirect_dma source(%dma_start3A_175 : memref<10000x144xf32, #tpu.memory_space<hbm>>) target(%dma_start3A_169 : memref<40x144xf32, #tpu.memory_space<vmem>>) offsets(%dma_start3A_172 : memref<40xi32, #tpu.memory_space<vmem>>) semaphore(%dma_start3A_177 : memref<!tpu.dma_semaphore, #tpu.memory_space<semaphore_mem>>)
      } else {
      }
      %dma_wait3A_136 = arith.constant 0 : i32
      %dma_wait3A_137 = arith.constant 0 : i32
      %dma_wait3A_138 = tpu.memref_slice %arg10[%rem3A_130, %dma_wait3A_136, %dma_wait3A_137] : memref<3x40x144xf32, #tpu.memory_space<vmem>> -> memref<1x40x144xf32, #tpu.memory_space<vmem>>
      %dma_wait3A_139 = tpu.memref_squeeze %dma_wait3A_138 : memref<1x40x144xf32, #tpu.memory_space<vmem>> -> memref<40x144xf32, #tpu.memory_space<vmem>>
      %dma_wait3A_140 = arith.constant 0 : i32
      %dma_wait3A_141 = tpu.memref_slice %arg8[%scan3A_128, %dma_wait3A_140] : memref<250x40xi32, #tpu.memory_space<vmem>> -> memref<1x40xi32, #tpu.memory_space<vmem>>
      %dma_wait3A_142 = tpu.memref_squeeze %dma_wait3A_141 : memref<1x40xi32, #tpu.memory_space<vmem>> -> memref<40xi32, #tpu.memory_space<vmem>>
      %dma_wait3A_143 = arith.constant 0 : i32
      %dma_wait3A_144 = arith.constant 0 : i32
      %dma_wait3A_145 = tpu.memref_slice %arg2[%dma_wait3A_143, %dma_wait3A_144] : memref<10000x144xf32, #tpu.memory_space<hbm>> -> memref<10000x144xf32, #tpu.memory_space<hbm>>
      %dma_wait3A_146 = tpu.memref_slice %arg11[%rem3A_130] : memref<3x!tpu.dma_semaphore, #tpu.memory_space<semaphore_mem>> -> memref<1x!tpu.dma_semaphore, #tpu.memory_space<semaphore_mem>>
      %dma_wait3A_147 = tpu.memref_squeeze %dma_wait3A_146 : memref<1x!tpu.dma_semaphore, #tpu.memory_space<semaphore_mem>> -> memref<!tpu.dma_semaphore, #tpu.memory_space<semaphore_mem>>
      tpu.wait_indirect_dma semaphore(%dma_wait3A_147 : memref<!tpu.dma_semaphore, #tpu.memory_space<semaphore_mem>>) src(%dma_wait3A_145 : memref<10000x144xf32, #tpu.memory_space<hbm>>) dst(%dma_wait3A_139 : memref<40x144xf32, #tpu.memory_space<vmem>>)
      %dma_start3A_148 = arith.constant 0 : i32
      %dma_start3A_149 = arith.constant 0 : i32
      %dma_start3A_150 = tpu.memref_slice %arg10[%rem3A_130, %dma_start3A_148, %dma_start3A_149] : memref<3x40x144xf32, #tpu.memory_space<vmem>> -> memref<1x40x144xf32, #tpu.memory_space<vmem>>
      %dma_start3A_151 = tpu.memref_squeeze %dma_start3A_150 : memref<1x40x144xf32, #tpu.memory_space<vmem>> -> memref<40x144xf32, #tpu.memory_space<vmem>>
      %dma_start3A_152 = arith.constant 0 : i32
      %dma_start3A_153 = tpu.memref_slice %arg9[%scan3A_128, %dma_start3A_152] : memref<250x40xi32, #tpu.memory_space<vmem>> -> memref<1x40xi32, #tpu.memory_space<vmem>>
      %dma_start3A_154 = tpu.memref_squeeze %dma_start3A_153 : memref<1x40xi32, #tpu.memory_space<vmem>> -> memref<40xi32, #tpu.memory_space<vmem>>
      %dma_start3A_155 = arith.constant 0 : i32
      %dma_start3A_156 = arith.constant 0 : i32
      %dma_start3A_157 = tpu.memref_slice %arg7[%dma_start3A_155, %dma_start3A_156] : memref<10240x144xf32, #tpu.memory_space<vmem_shared>> -> memref<10240x144xf32, #tpu.memory_space<vmem_shared>>
      %dma_start3A_158 = tpu.memref_slice %arg12[%rem3A_130] : memref<3x!tpu.dma_semaphore, #tpu.memory_space<semaphore_mem>> -> memref<1x!tpu.dma_semaphore, #tpu.memory_space<semaphore_mem>>
      %dma_start3A_159 = tpu.memref_squeeze %dma_start3A_158 : memref<1x!tpu.dma_semaphore, #tpu.memory_space<semaphore_mem>> -> memref<!tpu.dma_semaphore, #tpu.memory_space<semaphore_mem>>
      tpu.enqueue_indirect_dma source(%dma_start3A_151 : memref<40x144xf32, #tpu.memory_space<vmem>>) target(%dma_start3A_157 : memref<10240x144xf32, #tpu.memory_space<vmem_shared>>) offsets(%dma_start3A_154 : memref<40xi32, #tpu.memory_space<vmem>>) semaphore(%dma_start3A_159 : memref<!tpu.dma_semaphore, #tpu.memory_space<semaphore_mem>>) {add = true}
    }
    %scan3A_79 = arith.constant 250 : i32
    %rem3A = arith.constant 247 : i32
    %rem3A_80 = arith.constant 3 : i32
    %rem3A_81 = arith.remsi %rem3A, %rem3A_80 : i32
    %dma_wait3A_82 = arith.constant 247 : i32
    %dma_wait3A_83 = arith.constant 0 : i32
    %dma_wait3A_84 = arith.constant 0 : i32
    %dma_wait3A_85 = tpu.memref_slice %arg10[%rem3A_81, %dma_wait3A_83, %dma_wait3A_84] : memref<3x40x144xf32, #tpu.memory_space<vmem>> -> memref<1x40x144xf32, #tpu.memory_space<vmem>>
    %dma_wait3A_86 = tpu.memref_squeeze %dma_wait3A_85 : memref<1x40x144xf32, #tpu.memory_space<vmem>> -> memref<40x144xf32, #tpu.memory_space<vmem>>
    %dma_wait3A_87 = arith.constant 0 : i32
    %dma_wait3A_88 = tpu.memref_slice %arg9[%dma_wait3A_82, %dma_wait3A_87] : memref<250x40xi32, #tpu.memory_space<vmem>> -> memref<1x40xi32, #tpu.memory_space<vmem>>
    %dma_wait3A_89 = tpu.memref_squeeze %dma_wait3A_88 : memref<1x40xi32, #tpu.memory_space<vmem>> -> memref<40xi32, #tpu.memory_space<vmem>>
    %dma_wait3A_90 = arith.constant 0 : i32
    %dma_wait3A_91 = arith.constant 0 : i32
    %dma_wait3A_92 = tpu.memref_slice %arg7[%dma_wait3A_90, %dma_wait3A_91] : memref<10240x144xf32, #tpu.memory_space<vmem_shared>> -> memref<10240x144xf32, #tpu.memory_space<vmem_shared>>
    %dma_wait3A_93 = tpu.memref_slice %arg12[%rem3A_81] : memref<3x!tpu.dma_semaphore, #tpu.memory_space<semaphore_mem>> -> memref<1x!tpu.dma_semaphore, #tpu.memory_space<semaphore_mem>>
    %dma_wait3A_94 = tpu.memref_squeeze %dma_wait3A_93 : memref<1x!tpu.dma_semaphore, #tpu.memory_space<semaphore_mem>> -> memref<!tpu.dma_semaphore, #tpu.memory_space<semaphore_mem>>
    tpu.wait_indirect_dma semaphore(%dma_wait3A_94 : memref<!tpu.dma_semaphore, #tpu.memory_space<semaphore_mem>>) src(%dma_wait3A_86 : memref<40x144xf32, #tpu.memory_space<vmem>>) dst(%dma_wait3A_92 : memref<10240x144xf32, #tpu.memory_space<vmem_shared>>)
    %rem3A_95 = arith.constant 248 : i32
    %rem3A_96 = arith.constant 3 : i32
    %rem3A_97 = arith.remsi %rem3A_95, %rem3A_96 : i32
    %dma_wait3A_98 = arith.constant 248 : i32
    %dma_wait3A_99 = arith.constant 0 : i32
    %dma_wait3A_100 = arith.constant 0 : i32
    %dma_wait3A_101 = tpu.memref_slice %arg10[%rem3A_97, %dma_wait3A_99, %dma_wait3A_100] : memref<3x40x144xf32, #tpu.memory_space<vmem>> -> memref<1x40x144xf32, #tpu.memory_space<vmem>>
    %dma_wait3A_102 = tpu.memref_squeeze %dma_wait3A_101 : memref<1x40x144xf32, #tpu.memory_space<vmem>> -> memref<40x144xf32, #tpu.memory_space<vmem>>
    %dma_wait3A_103 = arith.constant 0 : i32
    %dma_wait3A_104 = tpu.memref_slice %arg9[%dma_wait3A_98, %dma_wait3A_103] : memref<250x40xi32, #tpu.memory_space<vmem>> -> memref<1x40xi32, #tpu.memory_space<vmem>>
    %dma_wait3A_105 = tpu.memref_squeeze %dma_wait3A_104 : memref<1x40xi32, #tpu.memory_space<vmem>> -> memref<40xi32, #tpu.memory_space<vmem>>
    %dma_wait3A_106 = arith.constant 0 : i32
    %dma_wait3A_107 = arith.constant 0 : i32
    %dma_wait3A_108 = tpu.memref_slice %arg7[%dma_wait3A_106, %dma_wait3A_107] : memref<10240x144xf32, #tpu.memory_space<vmem_shared>> -> memref<10240x144xf32, #tpu.memory_space<vmem_shared>>
    %dma_wait3A_109 = tpu.memref_slice %arg12[%rem3A_97] : memref<3x!tpu.dma_semaphore, #tpu.memory_space<semaphore_mem>> -> memref<1x!tpu.dma_semaphore, #tpu.memory_space<semaphore_mem>>
    %dma_wait3A_110 = tpu.memref_squeeze %dma_wait3A_109 : memref<1x!tpu.dma_semaphore, #tpu.memory_space<semaphore_mem>> -> memref<!tpu.dma_semaphore, #tpu.memory_space<semaphore_mem>>
    tpu.wait_indirect_dma semaphore(%dma_wait3A_110 : memref<!tpu.dma_semaphore, #tpu.memory_space<semaphore_mem>>) src(%dma_wait3A_102 : memref<40x144xf32, #tpu.memory_space<vmem>>) dst(%dma_wait3A_108 : memref<10240x144xf32, #tpu.memory_space<vmem_shared>>)
    %rem3A_111 = arith.constant 249 : i32
    %rem3A_112 = arith.constant 3 : i32
    %rem3A_113 = arith.remsi %rem3A_111, %rem3A_112 : i32
    %dma_wait3A_114 = arith.constant 249 : i32
    %dma_wait3A_115 = arith.constant 0 : i32
    %dma_wait3A_116 = arith.constant 0 : i32
    %dma_wait3A_117 = tpu.memref_slice %arg10[%rem3A_113, %dma_wait3A_115, %dma_wait3A_116] : memref<3x40x144xf32, #tpu.memory_space<vmem>> -> memref<1x40x144xf32, #tpu.memory_space<vmem>>
    %dma_wait3A_118 = tpu.memref_squeeze %dma_wait3A_117 : memref<1x40x144xf32, #tpu.memory_space<vmem>> -> memref<40x144xf32, #tpu.memory_space<vmem>>
    %dma_wait3A_119 = arith.constant 0 : i32
    %dma_wait3A_120 = tpu.memref_slice %arg9[%dma_wait3A_114, %dma_wait3A_119] : memref<250x40xi32, #tpu.memory_space<vmem>> -> memref<1x40xi32, #tpu.memory_space<vmem>>
    %dma_wait3A_121 = tpu.memref_squeeze %dma_wait3A_120 : memref<1x40xi32, #tpu.memory_space<vmem>> -> memref<40xi32, #tpu.memory_space<vmem>>
    %dma_wait3A_122 = arith.constant 0 : i32
    %dma_wait3A_123 = arith.constant 0 : i32
    %dma_wait3A_124 = tpu.memref_slice %arg7[%dma_wait3A_122, %dma_wait3A_123] : memref<10240x144xf32, #tpu.memory_space<vmem_shared>> -> memref<10240x144xf32, #tpu.memory_space<vmem_shared>>
    %dma_wait3A_125 = tpu.memref_slice %arg12[%rem3A_113] : memref<3x!tpu.dma_semaphore, #tpu.memory_space<semaphore_mem>> -> memref<1x!tpu.dma_semaphore, #tpu.memory_space<semaphore_mem>>
    %dma_wait3A_126 = tpu.memref_squeeze %dma_wait3A_125 : memref<1x!tpu.dma_semaphore, #tpu.memory_space<semaphore_mem>> -> memref<!tpu.dma_semaphore, #tpu.memory_space<semaphore_mem>>
    tpu.wait_indirect_dma semaphore(%dma_wait3A_126 : memref<!tpu.dma_semaphore, #tpu.memory_space<semaphore_mem>>) src(%dma_wait3A_118 : memref<40x144xf32, #tpu.memory_space<vmem>>) dst(%dma_wait3A_124 : memref<10240x144xf32, #tpu.memory_space<vmem_shared>>)
    %barrier3A_127 = arith.constant 0 : index
    tpu.barrier barrier_id(%barrier3A_127)
    "tpu.region"() ({
      %run_scoped3A = tpu.sem_alloc : memref<!tpu.dma_semaphore, #tpu.memory_space<semaphore_mem>>
      %dma_start3A_128 = arith.constant 0 : i32
      %dma_start3A_129 = arith.constant 0 : i32
      %dma_start3A_130 = tpu.memref_slice %arg6[%arg0, %dma_start3A_128, %dma_start3A_129] : memref<2x10240x144xf32, #tpu.memory_space<hbm>> -> memref<1x10240x144xf32, #tpu.memory_space<hbm>>
      %dma_start3A_131 = tpu.memref_squeeze %dma_start3A_130 : memref<1x10240x144xf32, #tpu.memory_space<hbm>> -> memref<10240x144xf32, #tpu.memory_space<hbm>>
      %dma_start3A_132 = arith.constant 0 : i32
      %dma_start3A_133 = tpu.memref_slice %dma_start3A_131[%multiple_of3A, %dma_start3A_132] : memref<10240x144xf32, #tpu.memory_space<hbm>> -> memref<640x144xf32, #tpu.memory_space<hbm>>
      %dma_start3A_134 = arith.constant 0 : i32
      %dma_start3A_135 = tpu.memref_slice %arg7[%multiple_of3A, %dma_start3A_134] : memref<10240x144xf32, #tpu.memory_space<vmem_shared>> -> memref<640x144xf32, #tpu.memory_space<vmem_shared>>
      tpu.enqueue_dma source(%dma_start3A_135 : memref<640x144xf32, #tpu.memory_space<vmem_shared>>) target(%dma_start3A_133 : memref<640x144xf32, #tpu.memory_space<hbm>>) target_semaphore(%run_scoped3A : memref<!tpu.dma_semaphore, #tpu.memory_space<semaphore_mem>>)
      %dma_wait3A_136 = arith.constant 0 : i32
      %dma_wait3A_137 = arith.constant 0 : i32
      %dma_wait3A_138 = tpu.memref_slice %arg6[%arg0, %dma_wait3A_136, %dma_wait3A_137] : memref<2x10240x144xf32, #tpu.memory_space<hbm>> -> memref<1x10240x144xf32, #tpu.memory_space<hbm>>
      %dma_wait3A_139 = tpu.memref_squeeze %dma_wait3A_138 : memref<1x10240x144xf32, #tpu.memory_space<hbm>> -> memref<10240x144xf32, #tpu.memory_space<hbm>>
      %dma_wait3A_140 = arith.constant 0 : i32
      %dma_wait3A_141 = tpu.memref_slice %dma_wait3A_139[%multiple_of3A, %dma_wait3A_140] : memref<10240x144xf32, #tpu.memory_space<hbm>> -> memref<640x144xf32, #tpu.memory_space<hbm>>
      %dma_wait3A_142 = arith.constant 0 : i32
      %dma_wait3A_143 = tpu.memref_slice %arg7[%multiple_of3A, %dma_wait3A_142] : memref<10240x144xf32, #tpu.memory_space<vmem_shared>> -> memref<640x144xf32, #tpu.memory_space<vmem_shared>>
      tpu.wait_dma2 semaphore(%run_scoped3A : memref<!tpu.dma_semaphore, #tpu.memory_space<semaphore_mem>>) src(%dma_wait3A_143 : memref<640x144xf32, #tpu.memory_space<vmem_shared>>) dst(%dma_wait3A_141 : memref<640x144xf32, #tpu.memory_space<hbm>>)
      tpu.yield
    }) : () -> ()
    return
  }
}

module attributes {stable_mosaic.version = 14 : i64} {
  func.func @_mm_body(%arg0: i32, %arg1: memref<2000x128xf32, #tpu.memory_space<vmem>>, %arg2: memref<128x128xf32, #tpu.memory_space<vmem>>, %arg3: memref<2000x144xf32, #tpu.memory_space<vmem>>) attributes {dimension_semantics = [#tpu.dimension_semantics<arbitrary>], iteration_bounds = array<i64: 5>, scalar_prefetch = 0 : i64, scratch_operands = 0 : i64, tpu.core_type = #tpu.core_type<tc>, window_params = [{transform_indices = @transform_0, window_bounds = array<i64: 2000, 128>}, {pipeline_mode = #tpu.pipeline_mode<synchronous>, transform_indices = @transform_1, window_bounds = array<i64: 128, 128>}, {transform_indices = @transform_2, window_bounds = array<i64: 2000, 144>}]} {
    %get3A = arith.constant 0 : index
    %get3A_0 = arith.constant 0 : index
    %get3A_1 = vector.load %arg1[%get3A, %get3A_0] : memref<2000x128xf32, #tpu.memory_space<vmem>>, vector<2000x128xf32>
    %get3A_2 = arith.constant 0 : index
    %get3A_3 = arith.constant 0 : index
    %get3A_4 = vector.load %arg2[%get3A_2, %get3A_3] : memref<128x128xf32, #tpu.memory_space<vmem>>, vector<128x128xf32>
    %dot_general3A = arith.constant dense<0.000000e+00> : vector<2000x128xf32>
    %dot_general3A_5 = tpu.matmul %get3A_1, %get3A_4, %dot_general3A {dimension_numbers = #tpu.dot_dimension_numbers<[1], [0], [0], [1], [0, 0, 1, 1], [], []>, transpose_lhs_hint = false} : vector<2000x128xf32>, vector<128x128xf32>, vector<2000x128xf32> -> vector<2000x128xf32>
    %iota3A = tpu.iota {dimensions = array<i32: 1>} : vector<2000x16xi32>
    %eq3A = arith.constant 0 : i32
    %eq3A_6 = vector.broadcast %eq3A : i32 to vector<2000x16xi32>
    %eq3A_7 = arith.cmpi eq, %iota3A, %eq3A_6 : vector<2000x16xi32>
    %jit3A = arith.constant 1.000000e+00 : f32
    %jit3A_8 = arith.constant 0.000000e+00 : f32
    %broadcast_in_dim3A = vector.broadcast %jit3A : f32 to vector<2000x16xf32>
    %broadcast_in_dim3A_9 = vector.broadcast %jit3A_8 : f32 to vector<2000x16xf32>
    %select_n3A = arith.select %eq3A_7, %broadcast_in_dim3A, %broadcast_in_dim3A_9 : vector<2000x16xi1>, vector<2000x16xf32>
    %concatenate3A = tpu.concatenate %dot_general3A_5, %select_n3A in 1 : vector<2000x128xf32>, vector<2000x16xf32> -> vector<2000x144xf32>
    %swap3A = arith.constant 0 : index
    %swap3A_10 = arith.constant 0 : index
    %swap3A_11 = vector.load %arg3[%swap3A, %swap3A_10] : memref<2000x144xf32, #tpu.memory_space<vmem>>, vector<2000x144xf32>
    tpu.vector_store %arg3[%swap3A, %swap3A_10], %concatenate3A {strides = array<i32>} : memref<2000x144xf32, #tpu.memory_space<vmem>>, vector<2000x144xf32>,
    return
  }
  func.func @transform_0(%arg0: i32) -> (i32, i32) {
    %c0_i32 = arith.constant 0 : i32
    %c0_i32_0 = arith.constant 0 : i32
    return %arg0, %c0_i32 : i32, i32
  }
  func.func @transform_1(%arg0: i32) -> (i32, i32) {
    %c0_i32 = arith.constant 0 : i32
    %c0_i32_0 = arith.constant 0 : i32
    %c0_i32_1 = arith.constant 0 : i32
    return %c0_i32, %c0_i32_0 : i32, i32
  }
  func.func @transform_2(%arg0: i32) -> (i32, i32) {
    %c0_i32 = arith.constant 0 : i32
    %c0_i32_0 = arith.constant 0 : i32
    return %arg0, %c0_i32 : i32, i32
  }
}

module attributes {stable_mosaic.version = 14 : i64} {
  func.func @_combine_body(%arg0: i32, %arg1: memref<2x2000x144xf32, #tpu.memory_space<vmem>>, %arg2: memref<1x128xf32, #tpu.memory_space<vmem>>, %arg3: memref<2000x128xf32, #tpu.memory_space<vmem>>) attributes {dimension_semantics = [#tpu.dimension_semantics<arbitrary>], iteration_bounds = array<i64: 5>, scalar_prefetch = 0 : i64, scratch_operands = 0 : i64, tpu.core_type = #tpu.core_type<tc>, window_params = [{transform_indices = @transform_0, window_bounds = array<i64: 2, 2000, 144>}, {pipeline_mode = #tpu.pipeline_mode<synchronous>, transform_indices = @transform_1, window_bounds = array<i64: 1, 128>}, {transform_indices = @transform_2, window_bounds = array<i64: 2000, 128>}]} {
    %get3A = arith.constant 0 : index
    %get3A_0 = arith.constant 0 : index
    %get3A_1 = arith.constant 0 : index
    %get3A_2 = vector.load %arg1[%get3A, %get3A_0, %get3A_1] : memref<2x2000x144xf32, #tpu.memory_space<vmem>>, vector<2x2000x144xf32>
    %slice3A = vector.extract_strided_slice %get3A_2 {offsets = [0, 0, 0], sizes = [1, 2000, 144], strides = [1, 1, 1]} : vector<2x2000x144xf32> to vector<1x2000x144xf32>
    %squeeze3A = vector.shape_cast %slice3A : vector<1x2000x144xf32> to vector<2000x144xf32>
    %slice3A_3 = vector.extract_strided_slice %get3A_2 {offsets = [1, 0, 0], sizes = [1, 2000, 144], strides = [1, 1, 1]} : vector<2x2000x144xf32> to vector<1x2000x144xf32>
    %squeeze3A_4 = vector.shape_cast %slice3A_3 : vector<1x2000x144xf32> to vector<2000x144xf32>
    %add3A = arith.addf %squeeze3A, %squeeze3A_4 : vector<2000x144xf32>
    %slice3A_5 = vector.extract_strided_slice %add3A {offsets = [0, 128], sizes = [2000, 1], strides = [1, 1]} : vector<2000x144xf32> to vector<2000x1xf32>
    %max3A = arith.constant 1.000000e+00 : f32
    %max3A_6 = vector.broadcast %max3A : f32 to vector<2000x1xf32>
    %max3A_7 = arith.maximumf %slice3A_5, %max3A_6 : vector<2000x1xf32>
    %div3A = arith.constant 1.000000e+00 : f32
    %div3A_8 = vector.broadcast %div3A : f32 to vector<2000x1xf32>
    %div3A_9 = arith.divf %div3A_8, %max3A_7 : vector<2000x1xf32>
    %slice3A_10 = vector.extract_strided_slice %add3A {offsets = [0, 0], sizes = [2000, 128], strides = [1, 1]} : vector<2000x144xf32> to vector<2000x128xf32>
    %mul3A = vector.broadcast %div3A_9 : vector<2000x1xf32> to vector<2000x128xf32>
    %mul3A_11 = arith.mulf %slice3A_10, %mul3A : vector<2000x128xf32>
    %get3A_12 = arith.constant 0 : index
    %get3A_13 = arith.constant 0 : index
    %get3A_14 = vector.load %arg2[%get3A_12, %get3A_13] : memref<1x128xf32, #tpu.memory_space<vmem>>, vector<1x128xf32>
    %add3A_15 = vector.broadcast %get3A_14 : vector<1x128xf32> to vector<2000x128xf32>
    %add3A_16 = arith.addf %mul3A_11, %add3A_15 : vector<2000x128xf32>
    %swap3A = arith.constant 0 : index
    %swap3A_17 = arith.constant 0 : index
    %swap3A_18 = vector.load %arg3[%swap3A, %swap3A_17] : memref<2000x128xf32, #tpu.memory_space<vmem>>, vector<2000x128xf32>
    tpu.vector_store %arg3[%swap3A, %swap3A_17], %add3A_16 {strides = array<i32>} : memref<2000x128xf32, #tpu.memory_space<vmem>>, vector<2000x128xf32>,
    return
  }
  func.func @transform_0(%arg0: i32) -> (i32, i32, i32) {
    %c0_i32 = arith.constant 0 : i32
    %c0_i32_0 = arith.constant 0 : i32
    %c0_i32_1 = arith.constant 0 : i32
    return %c0_i32, %arg0, %c0_i32_0 : i32, i32, i32
  }
  func.func @transform_1(%arg0: i32) -> (i32, i32) {
    %c0_i32 = arith.constant 0 : i32
    %c0_i32_0 = arith.constant 0 : i32
    %c0_i32_1 = arith.constant 0 : i32
    return %c0_i32, %c0_i32_0 : i32, i32
  }
  func.func @transform_2(%arg0: i32) -> (i32, i32) {
    %c0_i32 = arith.constant 0 : i32
    %c0_i32_0 = arith.constant 0 : i32
    return %arg0, %c0_i32 : i32, i32
  }
}

</mosaic_0001>

<sc_bundles>
// kernel: kernel.5.cloned.1.call-start
scs
__scs_entry_jumppad:
0x0: {  	(pc) =	sbr.rel $0x88, $3  }
0x1: {  	(tag) =	ssettag $0x0;
	lr =	simm.s32 $0x1  }
0x2: {  	[smem:$0x3F9D] =	sst lr;
	_ =	strace $0xD0000000  }
0x3: {  	_ = 	snop  }
0x4: {  	_ = 	snop  }
0x5: {  	_ = 	snop  }
0x6: {  	_ = 	snop  }
0x7: {  	_ = 	snop  }
__scs_overlays_trampoline_lowered:
0x8: {  	[smem:$0x3FAC] =	sst s0  }
0x9: {  	[smem:$0x3FAD] =	sst s1  }
0xa: {  	[smem:$0x3FAE] =	sst s2  }
0xb: {  	[smem:$0x3FAF] =	sst s3  }
0xc: {  	[smem:$0x3FB0] =	sst s4  }
0xd: {  	[smem:$0x3FB1] =	sst s5  }
0xe: {  	[smem:$0x3FB2] =	sst s6  }
0xf: {  	[smem:$0x3FB3] =	sst s7  }
0x10: {  	[smem:$0x3FB4] =	sst s8  }
0x11: {  	[smem:$0x3FB5] =	sst s9;
	s0 =	simm.s32 @!p0 $0x0  }
0x12: {  	s1 =	sld [smem:$0x3F9B];
	s0 =	simm.s32 @p0 $0x1  }
0x13: {  	[smem:$0x3FB6] =	sst s0;
	s0 =	simm.s32 @!p1 $0x0  }
0x14: {  	s2 =	sld [smem:$0x3F9A];
	s0 =	simm.s32 @p1 $0x1  }
0x15: {  	[smem:$0x3FB7] =	sst s0;
	s0 =	simm.s32 @!p2 $0x0  }
0x16: {  	s3 =	sld [smem:$0x3FDB];
	s0 =	simm.s32 @p2 $0x1  }
0x17: {  	s4 =	simm.s32 $0x1BF5;
	[smem:$0x3FB9] =	sst s0  }
0x18: {  	s0 =	sld [smem:$0x3F9C];
	_ =	swait.ge [sflag:s4], $0x0  }
0x19: {  	s7 =	sld [smem:$0x3F9D]  }
0x1a: {  	s8 =	sadd.s32 $0xFFFFE003, lr  }
0x1b: {  	s9 =	sadd.s32 $0xFFFFFEF7, lr;
	s5 =	simm.s32 $0xFFFFFFFF;
	p2 =	slt.u32 s8, $0xFFFFF086  }
0x1c: {  	p1 =	slt.u32 s9, $0xF7A;
	s5 =	simm.s32 @!p2 $0x0  }
0x1d: {  	s5 =	simm.s32 @p1 $0x1;
	p0 =	seq.s32 s7, s2  }
0x1e: {  	s7 =	smul.u32 @!p0 $0xF7A, s2;
	p2 =	seq.s32 @!p0 s5, $0x0  }
0x1f: {  	s9 =	smul.u32 $0xF7A, s1;
	s8 =	simm.s32 @!p0 $0x1BF5;
	p2 =	por !p2, p0  }
0x20: {  	[sflag:s8] =	ssyncset.s32 @!p0 $0xFFFFF086;
	s6 =	sadd.s32 @!p0 s3, s7;
	s7 =	simm.s32 @!p0 $0x108  }
0x21: {  	s3 =	sadd.s32 s3, s9;
	s6 =	sadd.s32 @!p0 $0x88, s6;
	s7 =	simm.s32 @p2 $0x1082  }
0x22: {  	[simem:s7], [sflag:s8] =	dma.local @!p0 [hbm:s6], $0xF7A  }
0x23: {  	s9 =	sor.u32 $0xD0000000, s2;
	s6 =	simm.s32 $0x108;
	_ =	swait.ge @!p0 [sflag:s8], $0x0  }
0x24: {  	s3 =	sadd.s32 $0x88, s3;
	s6 =	simm.s32 @!p1 $0x1082;
	[sflag:s4] =	ssyncset.s32 $0xFFFFF086  }
0x25: {  	[simem:s6], [sflag:s4] =	dma.local [hbm:s3], $0xF7A  }
0x26: {  	[smem:$0x3F9D] =	sst s1;
	(tag) =	ssettag s2;
	_ =	strace s9  }
0x27: {  	s1 =	sld [smem:$0x3FAD]  }
0x28: {  	s2 =	sld [smem:$0x3FAE]  }
0x29: {  	s4 =	sld [smem:$0x3FB0]  }
0x2a: {  	p0 =	seq.s32 s5, $0x0;
	s5 =	sld [smem:$0x3FB1]  }
0x2b: {  	s6 =	sld [smem:$0x3FB2]  }
0x2c: {  	s7 =	sld [smem:$0x3FB3]  }
0x2d: {  	s3 =	simm.s32 $0x108;
	s8 =	sld [smem:$0x3FB4]  }
0x2e: {  	s3 =	simm.s32 @!p0 $0x1082;
	s9 =	sld [smem:$0x3FB5]  }
0x2f: {  	lr =	sadd.s32 s0, s3;
	s0 =	sld [smem:$0x3FAC]  }
0x30: {  	s3 =	sld [smem:$0x3FAF]  }
0x31: {  	[smem:$0x3FB8] =	sst s10  }
0x32: {  	s10 =	sld [smem:$0x3FB6];
	_ =	sdelay $0x3  }
0x33: {  	p0 =	seq.s32 s10, $0x1;
	s10 =	sld [smem:$0x3FB8];
	_ =	sdelay $0x3  }
0x34: {  	[smem:$0x3FB8] =	sst s10  }
0x35: {  	s10 =	sld [smem:$0x3FB7];
	_ =	sdelay $0x3  }
0x36: {  	p1 =	seq.s32 s10, $0x1;
	s10 =	sld [smem:$0x3FB8];
	_ =	sdelay $0x3  }
0x37: {  	[smem:$0x3FB8] =	sst s10  }
0x38: {  	s10 =	sld [smem:$0x3FB9]  }
0x39: {  	_ = 	snop;
	(pc) =	sbr.ind lr, $3  }
0x3a: {  	_ = 	snop  }
0x3b: {  	_ = 	snop  }
0x3c: {  	p2 =	seq.s32 s10, $0x1;
	s10 =	sld [smem:$0x3FB8]  }
0x3d: {  	_ =	shalt  }
0x3e: {  	_ =	shalt  }
0x3f: {  	_ =	shalt  }
0x40: {  	_ =	shalt  }
0x41: {  	_ =	shalt  }
0x42: {  	_ =	shalt  }
0x43: {  	_ =	shalt  }
0x44: {  	_ =	shalt  }
0x45: {  	_ =	shalt  }
0x46: {  	_ =	shalt  }
0x47: {  	_ =	shalt  }
0x48: {  	_ =	shalt  }
0x49: {  	_ =	shalt  }
0x4a: {  	_ =	shalt  }
0x4b: {  	_ =	shalt  }
0x4c: {  	_ =	shalt  }
0x4d: {  	_ =	shalt  }
0x4e: {  	_ =	shalt  }
0x4f: {  	_ =	shalt  }
0x50: {  	_ =	shalt  }
0x51: {  	_ =	shalt  }
0x52: {  	_ =	shalt  }
0x53: {  	_ =	shalt  }
0x54: {  	_ =	shalt  }
0x55: {  	_ =	shalt  }
0x56: {  	_ =	shalt  }
0x57: {  	_ =	shalt  }
0x58: {  	_ =	shalt  }
0x59: {  	_ =	shalt  }
0x5a: {  	_ =	shalt  }
0x5b: {  	_ =	shalt  }
0x5c: {  	_ =	shalt  }
0x5d: {  	_ =	shalt  }
0x5e: {  	_ =	shalt  }
0x5f: {  	_ =	shalt  }
0x60: {  	_ =	shalt  }
0x61: {  	_ =	shalt  }
0x62: {  	_ =	shalt  }
0x63: {  	_ =	shalt  }
0x64: {  	_ =	shalt  }
0x65: {  	_ =	shalt  }
0x66: {  	_ =	shalt  }
0x67: {  	_ =	shalt  }
0x68: {  	_ =	shalt  }
0x69: {  	_ =	shalt  }
0x6a: {  	_ =	shalt  }
0x6b: {  	_ =	shalt  }
0x6c: {  	_ =	shalt  }
0x6d: {  	_ =	shalt  }
0x6e: {  	_ =	shalt  }
0x6f: {  	_ =	shalt  }
0x70: {  	_ =	shalt  }
0x71: {  	_ =	shalt  }
0x72: {  	_ =	shalt  }
0x73: {  	_ =	shalt  }
0x74: {  	_ =	shalt  }
0x75: {  	_ =	shalt  }
0x76: {  	_ =	shalt  }
0x77: {  	_ =	shalt  }
0x78: {  	_ =	shalt  }
0x79: {  	_ =	shalt  }
0x7a: {  	_ =	shalt  }
0x7b: {  	_ =	shalt  }
0x7c: {  	_ =	shalt  }
0x7d: {  	_ =	shalt  }
0x7e: {  	_ =	shalt  }
0x7f: {  	_ =	shalt  }
0x80: {  	_ =	shalt  }
0x81: {  	_ =	shalt  }
0x82: {  	_ =	shalt  }
0x83: {  	_ =	shalt  }
0x84: {  	_ =	shalt  }
0x85: {  	_ =	shalt  }
0x86: {  	_ =	shalt  }
0x87: {  	_ =	shalt  }
.Lfunc_end0:
.L_simem_size_0:
called_computation_lowered:
.L_overlay_start_0:
0x88: {  	s2 =	sld [smem:$0x3FD9]  }
0x89: {  	s3 =	sld [smem:$0x3FFE];
	_ =	sdelay $0x1  }
0x8a: {  	s1 =	srdreg.scid  }
0x8b: {  	s0 =	sand.u32 $0x1, s1  }
0x8c: {  	s17 =	sshll.u32 s0, $0xA;
	s2 =	sadd.s32 s3, s2  }
0x8d: {  	s2 =	sadd.s32 s2, s17  }
0x8e: {  	[smem:$0x3FC4] =	sst s2  }
0x8f: {  	_ = 	snop  }
0x90: {  	s2 =	sld [smem:$0x3FD0];
	(tm) =	ssettm $0x1  }
0x91: {  	s18 =	sld [smem:$0x3FFB];
	_ =	sdelay $0x3  }
0x92: {  	_ =	strace s18  }
0x93: {  	s3 =	sld [smem:$0x3FFC];
	_ =	sdelay $0x3  }
0x94: {  	_ =	strace s3  }
0x95: {  	s3 =	sld [smem:$0x3FFD];
	_ =	sdelay $0x3  }
0x96: {  	_ =	strace s3  }
0x97: {  	_ =	strace $0x8FFFFFFF  }
0x98: {  	s19 =	sld [smem:$0x3FDB];
	_ =	sdelay $0x1  }
0x99: {  	s4 =	simm.s32 $_scs_section_size  }
0x9a: {  	s5 =	simm.s32 $_size__tile_overlayer_lowered;
	s6 =	simm.s32 $_tile_overlayer_lowered  }
0x9b: {  	s22 =	simm.s32 $0x1BFF;
	s21 =	sshll.u32 s6, $0x1;
	s3 =	sadd.s32 s4, s19  }
0x9c: {  	s7 =	simm.s32 $0x0;
	s20 =	sshll.u32 s5, $0x1;
	s5 =	sadd.s32 s21, s3  }
0x9d: {  	[timem:s7], [sflag:s22] =	dma.local [hbm:s5], s20  }
0x9e: {  	_ =	swait.ge [sflag:s22], s20  }
0x9f: {  	s4 =	ssub.s32 $0x0, s20;
	[sflag:s22] =	ssyncset.done $0x0  }
0xa0: {  	[sflag:s22] =	ssyncadd.s32 s4;
	_ =	sdelay $0x1  }
0xa1: {  	s23 =	simm.s32 $0x1B8B  }
0xa2: {  	_ =	swait.ge [sflag:s23], $0x1  }
0xa3: {  	[sflag:s23] =	ssyncset.done $0x0  }
0xa4: {  	s25 =	simm.s32 $0x1B8E;
	s24 =	sld [smem:$0x3FFE];
	[sflag:s23] =	ssyncadd.s32 $0xFFFFFFFF  }
0xa5: {  	s26 =	simm.s32 $execute0_lowered;
	[smem:$0x3FD2] =	sst s25  }
0xa6: {  	s5 =	sshll.u32 s26, $0x1;
	_ =	strace $0x80000046;
	[dreg:$0x1] =	wrdreg $0xFFFFFFFF  }
0xa7: {  	s28 =	simm.s32 $_size_execute0_lowered;
	s3 =	sadd.s32 s3, s5;
	[dreg:$0x0] =	wrdreg $0x0  }
0xa8: {  	s5 =	sshll.u32 s28, $0x1;
	[dreg:$0x2] =	wrdreg s3  }
0xa9: {  	[dreg:$0x3] =	wrdreg s5  }
0xaa: {  	[dreg:$0x4] =	wrdreg $0xC0  }
0xab: {  	_ =	task [dreg:s7], $0x5FFFF  }
0xac: {  	[dreg:$0x1] =	wrdreg $0xFFFFFFFF  }
0xad: {  	[dreg:$0x0] =	wrdreg $0x60  }
0xae: {  	[dreg:$0x2] =	wrdreg s24  }
0xaf: {  	[dreg:$0x3] =	wrdreg s2  }
0xb0: {  	[dreg:$0x4] =	wrdreg $0x0  }
0xb1: {  	[dreg:$0x5] =	wrdreg $0x9  }
0xb2: {  	_ =	task.clear_ibuf [dreg:s7], $0x6FFFF;
	_ =	strace $0x90000046  }
0xb3: {  	s29 =	simm.s32 $0x9;
	_ =	strace $0x80000048  }
0xb4: {  	_ =	swait.ge [sflag:s29], $0x1  }
0xb5: {  	[sflag:s29] =	ssyncadd.s32 $0xFFFFFFFF  }
0xb6: {  	_ =	strace $0x90000048  }
0xb7: {  	_ =	sfence  }
0xb8: {  	s30 =	sld [smem:$0x0];
	_ =	sdelay $0x2  }
0xb9: {  	s31 =	sshll.u32 s1, $0xD;
	s1 =	sshrl.u32 s1, $0x2  }
0xba: {  	s3 =	sand.u32 $0x4000, s31;
	s1 =	sadd.s32 s1, s30  }
0xbb: {  	s0 =	sor.u32 s3, s0;
	s1 =	sshll.u32 s1, $0x11  }
0xbc: {  	s0 =	sor.u32 s1, s0  }
0xbd: {  	s0 =	sadd.s32 $0x8F2B, s0  }
0xbe: {  	[sflag:s0] =	ssyncadd.remote.s32 $0x1  }
0xbf: {  	_ =	sfence.sel $0xFFFF  }
0xc0: {  	[dreg:$0x0] =	wrdreg $0xFFFFFFFF;
	(pc) =	sbr.abs _section_cstart, $3  }
0xc1: {  	[dreg:$0x1] =	wrdreg $0xFFFFFFFF  }
0xc2: {  	_ =	task.clear_ibuf [dreg:s7], $0x2FFFF;
	_ =	strace $0x9FFFFFFF  }
0xc3: {  	(tm) =	ssettm $0x7FFFFFFF  }
tec
execute0_lowered:
.L_overlay_start_1:
0x0: {  	(tag) =	ssettag $0x1  }
0x1: {  	s0 =	rddreg [dreg:$0x0]  }
0x2: {  	s1 =	rddreg [dreg:$0x1]  }
0x3: {  	s3 =	srdreg.scid;
	s12 =	stileid.u32  }
0x4: {  	s2 =	rddreg [dreg:$0x2];
	s13 =	simm.s32 $0x1;
	s14 =	simm.s32 $0x2  }
0x5: {  	s15 =	simm.s32 $0x28;
	s19 =	simm.s32 $0x5;
	s20 =	simm.s32 $0x6  }
0x6: {  	s21 =	simm.s32 $0x4;
	s23 =	simm.s32 $0x0;
	s5 =	sand.u32 $0x1, s3  }
0x7: {  	s4 =	sshll.u32 s12, $0x1;
	s3 =	simm.s32 $0x0;
	s11 =	smul.u32 $0x16800, s12  }
0x8: {  	s31 =	sshll.u32 s12, $0x6;
	s12 =	simm.s32 $0x7;
	s4 =	sor.u32 s5, s4  }
0x9: {  	[smem:$0x7FF] =	sst s3;
	s8 =	smul.u32 $0x2D000, s5;
	s9 =	ssub.s32 $0x2, s5  }
0xa: {  	s5 =	sadd.s32 $0x36000, s0;
	s6 =	smul.u32 $0x4E2, s4;
	_ =	strace $0x80000047  }
0xb: {  	s4 =	sadd.s32 $0xA000, s0;
	s10 =	sshrl.u32 s9, $0x1;
	s30 =	sadd.s32 s11, s2  }
0xc: {  	s22 =	sshrl.u32 s11, $0x3;
	s9 =	ssub.s32 s9, s10;
	s10 =	simm.s32 $0x16800  }
0xd: {  	s11 =	sshrl.u32 s30, $0x3;
	s7 =	sadd.s32 s6, s0;
	s0 =	sadd.s32 s8, s0  }
0xe: {  	s6 =	sadd.s32 s1, s6;
	s8 =	sor.u32 $0x1C07, s31;
	s0 =	sadd.s32 $0x38E00, s0  }
0xf: {  	s9 =	smax.u32 s9, $0x1;
	s7 =	sadd.s32 $0x200, s7;
	s22 =	sadd.s32 s22, s0  }
.LBB2_1:
0x10: {  	[tilespmem:s10], [sflag:$0x1] =	stream.linear.gather [hbm4b:s6+s3], $0x2710, $0x38;
	[tilespmem:$0x1F9A0] =	vst v63  }
0x11: {  	s24 =	simm.s32 $0x18F10  }
0x12: {  	[tilespmem:s24], [sflag:$0x2] =	stream.linear.gather [hbm4b:s7+s3], $0x2710, $0x38;
	[tilespmem:$0x1F9A0] =	vst v63  }
0x13: {  	[spmem:s11], [sflag:s8] =	dma.local [hbm:s5], $0x2D00  }
0x14: {  	_ =	swait.ge [sflag:s12], $0x2D00  }
0x15: {  	[sflag:s12] =	ssyncset.done $0x0  }
0x16: {  	[sflag:s12] =	ssyncadd.s32 $0xFFFFD300  }
0x17: {  	_ =	swait.ge [sflag:s13], $0x2710  }
0x18: {  	[sflag:s13] =	ssyncset.done $0x0  }
0x19: {  	[sflag:s13] =	ssyncadd.s32 $0xFFFFD8F0  }
0x1a: {  	_ =	swait.ge [sflag:s14], $0x2710  }
0x1b: {  	[sflag:s14] =	ssyncset.done $0x0  }
0x1c: {  	[sflag:s14] =	ssyncadd.s32 $0xFFFFD8F0  }
0x1d: {  	s0 =	simm.s32 $0x1B620;
	[bflag:$0x0] =	sbarrier.arrive $0xFFFF  }
0x1e: {  	[tilespmem:s0], [sflag:$0x1] =	stream.indirect.gather [hbm4b:s4+s15], $0x90, s10, s15, $0xb8;
	[tilespmem:$0x1F9A0] =	vst v63  }
0x1f: {  	p0 =	por $0x0, $0x0;
	s0 =	simm.s32 $0x2  }
0x20: {  	s1 =	simm.s32 $0x16828;
	s16 =	simm.s32 $0x1CCA0;
	s0 =	smul.u32 @!p0 $0xAB, s0  }
0x21: {  	[tilespmem:s16], [sflag:$0x2] =	stream.indirect.gather [hbm4b:s4+s15], $0x90, s1, s15, $0xb8;
	[tilespmem:$0x1F9A0] =	vst v63  }
0x22: {  	s0 =	sshrl.u32 @!p0 s0, $0x9  }
0x23: {  	s25 =	smul.u32 $0xAB, s3;
	s0 =	sand.u32 @!p0 $0x7F, s0  }
0x24: {  	s28 =	simm.s32 $0x16850;
	s0 =	smul.u32 @!p0 $0x3, s0  }
0x25: {  	s26 =	simm.s32 $0x1;
	s29 =	simm.s32 $0x2;
	s1 =	sshrl.u32 s25, $0x9  }
0x26: {  	p1 =	por @!p0 $0x1, $0x1;
	s1 =	sand.u32 $0x7F, s1;
	s0 =	ssub.s32 @!p0 $0x2, s0  }
0x27: {  	p1 =	por p1, p0;
	s1 =	smul.u32 $0x3, s1;
	s0 =	sand.u32 @!p0 $0xFF, s0  }
0x28: {  	s25 =	simm.s32 $0x16878;
	s16 =	simm.s32 @!p0 $0x28;
	s30 =	sadd.s32 @!p1 $0x4, s0  }
0x29: {  	s1 =	ssub.s32 $0x0, s1;
	s31 =	smul.u32 @!p0 $0x5A00, s0;
	_ =	swait.ge @!p1 [sflag:s30], $0x1680  }
0x2a: {  	s1 =	sand.u32 $0xFF, s1;
	s0 =	sadd.s32 @!p0 $0x1, s0;
	[sflag:s30] =	ssyncset.done @!p1 $0x0  }
0x2b: {  	s17 =	sshrl.u32 @!p0 s31, $0x2;
	s31 =	sadd.s32 $0x1, s1;
	[sflag:s30] =	ssyncadd.s32 @!p1 $0xFFFFE980  }
0x2c: {  	s17 =	sadd.s32 @!p0 $0x1B620, s17;
	s30 =	smul.u32 $0x5A00, s1;
	s1 =	sadd.s32 $0x4, s1  }
0x2d: {  	[tilespmem:s17], [sflag:s0] =	stream.indirect.gather @!p0 [hbm4b:s4+s16], $0x90, s28, s16, $0xb8;
	[tilespmem:$0x1F9A0] =	vst v63  }
0x2e: {  	s28 =	simm.s32 $0x18F38;
	p0 =	por $0x0, $0x0;
	_ =	swait.ge [sflag:s31], $0x1680  }
0x2f: {  	s0 =	sshrl.u32 s30, $0x2;
	s30 =	simm.s32 $0x3;
	[sflag:s31] =	ssyncset.done $0x0  }
.LBB2_2:
0x30: {  	s16 =	smul.u32 @!p0 $0xAB, s30  }
0x31: {  	s0 =	sadd.s32 $0x1B620, s0;
	[sflag:s31] =	ssyncadd.s32 $0xFFFFE980;
	s17 =	smov.u32 s26  }
0x32: {  	s26 =	smov.u32 s29;
	s18 =	smov.u32 s25;
	s29 =	sadd.s32 $0x1, s29  }
0x33: {  	[spmem:s2] =	stream.indirect.scatter.add.f32 [tilespmem:s0], [sflag:s1], $0x90, s24, s15, $0xb8;
	[tilespmem:$0x1F9A0] =	vst v63  }
0x34: {  	s24 =	smov.u32 s28;
	s1 =	smul.u32 $0xAB, s17;
	s0 =	sshrl.u32 @!p0 s16, $0x9  }
0x35: {  	p1 =	sne.s32 s29, $0xFA;
	s0 =	sand.u32 @!p0 $0x7F, s0  }
0x36: {  	s1 =	sshrl.u32 s1, $0x9;
	s0 =	smul.u32 @!p0 $0x3, s0  }
0x37: {  	s1 =	sand.u32 $0x7F, s1  }
0x38: {  	p2 =	seq.s32 @!p0 s17, $0x0;
	s1 =	smul.u32 $0x3, s1;
	s0 =	ssub.s32 @!p0 s30, s0  }
0x39: {  	s25 =	sadd.s32 $0x28, s25;
	p2 =	por p2, p0;
	s0 =	sand.u32 @!p0 $0xFF, s0  }
0x3a: {  	s1 =	ssub.s32 s17, s1;
	s16 =	sadd.s32 @!p2 $0x4, s0;
	s30 =	smul.u32 @!p0 $0x5A00, s0  }
0x3b: {  	s17 =	simm.s32 @!p0 $0x28;
	s1 =	sand.u32 $0xFF, s1;
	_ =	swait.ge @!p2 [sflag:s16], $0x1680  }
0x3c: {  	s0 =	sadd.s32 @!p0 $0x1, s0;
	[sflag:s16] =	ssyncset.done @!p2 $0x0;
	s30 =	sshrl.u32 @!p0 s30, $0x2  }
.Ltmp0:
0x3d: {  	s31 =	sadd.s32 $0x1, s1;
	[sflag:s16] =	ssyncadd.s32 @!p2 $0xFFFFE980;
	(pc) =	sbr.rel @p1 .LBB2_2-.Ltmp0, $4  }
0x3e: {  	s16 =	sadd.s32 @!p0 $0x1B620, s30;
	s30 =	smul.u32 $0x5A00, s1;
	s1 =	sadd.s32 $0x4, s1  }
0x3f: {  	[tilespmem:s16], [sflag:s0] =	stream.indirect.gather @!p0 [hbm4b:s4+s17], $0x90, s18, s17, $0xb8;
	[tilespmem:$0x1F9A0] =	vst v63  }
0x40: {  	s28 =	sadd.s32 $0x28, s28;
	s0 =	sshrl.u32 s30, $0x2;
	_ =	swait.ge [sflag:s31], $0x1680  }
0x41: {  	s30 =	sadd.s32 $0x2, s26;
	p0 =	sgt.u32 s26, $0xF7;
	[sflag:s31] =	ssyncset.done $0x0  }
0x42: {  	s16 =	smul.u32 @!p0 $0xAB, s30;
	s0 =	sadd.s32 $0x1B620, s0;
	[sflag:s31] =	ssyncadd.s32 $0xFFFFE980  }
0x43: {  	[spmem:s2] =	stream.indirect.scatter.add.f32 [tilespmem:s0], [sflag:s1], $0x90, s24, s15, $0xb8;
	[tilespmem:$0x1F9A0] =	vst v63  }
0x44: {  	s24 =	smul.u32 $0xAB, s26;
	s0 =	sshrl.u32 @!p0 s16, $0x9  }
0x45: {  	s0 =	sand.u32 @!p0 $0x7F, s0  }
0x46: {  	s1 =	sshrl.u32 s24, $0x9;
	s0 =	smul.u32 @!p0 $0x3, s0  }
0x47: {  	s1 =	sand.u32 $0x7F, s1  }
0x48: {  	p1 =	seq.s32 @!p0 s26, $0x0;
	s1 =	smul.u32 $0x3, s1;
	s0 =	ssub.s32 @!p0 s30, s0  }
0x49: {  	s18 =	simm.s32 @!p0 $0x28;
	p1 =	por p1, p0;
	s0 =	sand.u32 @!p0 $0xFF, s0  }
0x4a: {  	s1 =	ssub.s32 s26, s1;
	s16 =	sadd.s32 @!p1 $0x4, s0;
	s17 =	smul.u32 @!p0 $0x5A00, s0  }
0x4b: {  	s1 =	sand.u32 $0xFF, s1;
	s0 =	sadd.s32 @!p0 $0x1, s0;
	_ =	swait.ge @!p1 [sflag:s16], $0x1680  }
0x4c: {  	s29 =	sadd.s32 $0x1, s1;
	[sflag:s16] =	ssyncset.done @!p1 $0x0;
	s17 =	sshrl.u32 @!p0 s17, $0x2  }
0x4d: {  	s30 =	smul.u32 $0x5A00, s1;
	[sflag:s16] =	ssyncadd.s32 @!p1 $0xFFFFE980;
	s17 =	sadd.s32 @!p0 $0x1B620, s17  }
0x4e: {  	[tilespmem:s17], [sflag:s0] =	stream.indirect.gather @!p0 [hbm4b:s4+s18], $0x90, s25, s18, $0xb8;
	[tilespmem:$0x1F9A0] =	vst v63  }
0x4f: {  	_ =	swait.ge [sflag:s29], $0x1680  }
0x50: {  	s31 =	sshrl.u32 s30, $0x2;
	[sflag:s29] =	ssyncset.done $0x0  }
0x51: {  	s1 =	sadd.s32 $0x4, s1;
	s0 =	sadd.s32 $0x1B620, s31;
	[sflag:s29] =	ssyncadd.s32 $0xFFFFE980  }
0x52: {  	[spmem:s2] =	stream.indirect.scatter.add.f32 [tilespmem:s0], [sflag:s1], $0x90, s28, s15, $0xb8;
	[tilespmem:$0x1F9A0] =	vst v63  }
0x53: {  	_ =	swait.ge [sflag:s19], $0x1680  }
0x54: {  	[sflag:s19] =	ssyncset.done $0x0  }
0x55: {  	[sflag:s19] =	ssyncadd.s32 $0xFFFFE980  }
0x56: {  	_ =	swait.ge [sflag:s20], $0x1680  }
0x57: {  	[sflag:s20] =	ssyncset.done $0x0  }
0x58: {  	[sflag:s20] =	ssyncadd.s32 $0xFFFFE980  }
0x59: {  	_ =	swait.ge [sflag:s21], $0x1680  }
0x5a: {  	s23 =	sadd.s32 $0x1, s23;
	[sflag:s21] =	ssyncset.done $0x0  }
0x5b: {  	p0 =	sne.s32 s23, s9;
	[sflag:s21] =	ssyncadd.s32 $0xFFFFE980  }
.Ltmp1:
0x5c: {  	[bflag:$0x0] =	sbarrier.arrive $0xFFFF;
	(pc) =	sbr.rel @p0 .LBB2_1-.Ltmp1, $4  }
0x5d: {  	[hbm:s22], [sflag:s8] =	dma.local [spmem:s11], $0x2D00  }
0x5e: {  	_ =	swait.ge [sflag:s12], $0x2D00  }
0x5f: {  	[sflag:s12] =	ssyncset.done $0x0  }
0x60: {  	[sflag:s12] =	ssyncadd.s32 $0xFFFFD300  }
0x61: {  	_ =	sfence.sel $0x180000  }
0x62: {  	[bflag:$0x0] =	sbarrier.arrive $0xFFFF  }
0x63: {  	_ =	strace $0x90000047  }
0x64: {  	s0 =	stileid.u32;
	[bflag:$0x2] =	sbarrier.arrive $0xFFFF  }
0x65: {  	p0 =	sne.s32 s0, $0x0;
	s0 =	rddreg [dreg:$0x3]  }
0x66: {  	s0 =	sadd.s32 @!p0 $0x100000, s0  }
0x67: {  	[sflag:s0] =	ssyncadd.tile.s32 @!p0 $0x1;
	_ =	shalt  }
.Lfunc_end2:
_tile_overlayer_lowered:
.L_overlay_start_2:
0x68: {  	(tag) =	ssettag $0x2  }
0x69: {  	s0 =	rddreg [dreg:$0x0];
	s2 =	stileid.u32  }
0x6a: {  	s1 =	rddreg [dreg:$0x1];
	p0 =	sne.s32 s2, $0x0  }
0x6b: {  	s3 =	rddreg [dreg:$0x2];
	[bflag:$0x3] =	sbarrier.arrive $0xFFFF;
	s2 =	simm.s32 @!p0 $0x1C07  }
0x6c: {  	[timem:s3], [sflag:s2] =	dma.local @!p0 [hbm:s0], s1  }
0x6d: {  	s0 =	simm.s32 @!p0 $0x7  }
0x6e: {  	_ =	swait.ge @!p0 [sflag:s0], s1  }
0x6f: {  	s1 =	ssub.s32 @!p0 $0x0, s1;
	[sflag:s0] =	ssyncset.done @!p0 $0x0  }
0x70: {  	[sflag:s0] =	ssyncadd.s32 @!p0 s1  }
0x71: {  	[bflag:$0x3] =	sbarrier.arrive $0xFFFF  }
0x72: {  	_ =	shalt  }

</sc_bundles>
